<compile_context>
chip_gen: v7x
topology: tpu7x:2x2x1
jax: 0.10.2.dev20260603
libtpu: 0.0.44.dev20260713+nightly
codegen_flags: <defaults>
</compile_context>

<pallas_src>
import functools

import jax
import jax.numpy as jnp
from jax import lax
from jax.experimental import pallas as pl
from jax.experimental.pallas import tpu as pltpu
from jax.experimental.pallas import tpu_sc as plsc

N = 819200
D = 64
VOCAB = 1000000

BP = 8192
VBLK = (VOCAB + 2 * BP - 1) // (2 * BP)
VPAD = VBLK * BP

_info = plsc.get_sparse_core_info()
NC, NS, L = _info.num_cores, _info.num_subcores, _info.num_lanes
NW = NC * NS

CHUNK = 128
ROWS_PER_W = N // NW
CHUNKS_PER_W = ROWS_PER_W // CHUNK
G = 8
GROUP = G * CHUNK
STEPS = CHUNKS_PER_W // G


def _relayout_body(x0_ref, x1_ref, eye_ref, o_ref):
    xcat = jnp.concatenate([x0_ref[...], x1_ref[...]], axis=0)
    o_ref[...] = lax.dot_general(
        xcat, eye_ref[...], (((0,), (0,)), ((), ())),
        preferred_element_type=jnp.float32,
    )


def _tc_relayout(tableT, eye2):
    return pl.pallas_call(
        _relayout_body,
        out_shape=jax.ShapeDtypeStruct((VPAD, 2 * D), jnp.float32),
        grid=(VBLK,),
        in_specs=[
            pl.BlockSpec((D, BP), lambda j: (0, 2 * j)),
            pl.BlockSpec(
                (D, BP),
                lambda j: (0, jnp.minimum(2 * j + 1, VOCAB // BP - 1)),
            ),
            pl.BlockSpec((2 * D, 2 * D), lambda j: (0, 0)),
        ],
        out_specs=pl.BlockSpec((BP, 2 * D), lambda j: (j, 0)),
    )(tableT, tableT, eye2)


def _sc_gather(table_lin, idx3):
    mesh = plsc.VectorSubcoreMesh(core_axis_name="c", subcore_axis_name="s")

    @functools.partial(
        pl.kernel,
        mesh=mesh,
        out_type=jax.ShapeDtypeStruct((N // 2, 2 * D), jnp.float32),
        compiler_params=pltpu.CompilerParams(use_tc_tiling_on_sc=False),
        scratch_types=[
            pltpu.VMEM((CHUNKS_PER_W, CHUNK), jnp.int32),
            pltpu.VMEM((GROUP, D), jnp.float32),
            pltpu.SemaphoreType.DMA,
        ],
    )
    def gather_kernel(table_hbm, idx_hbm, out_hbm, idx_v, rows_v, sem):
        wid = lax.axis_index("s") * NC + lax.axis_index("c")
        pltpu.sync_copy(idx_hbm.at[wid], idx_v)

        def body(i, carry):
            base_chunk = i * G
            copies = [
                pltpu.async_copy(
                    table_hbm.at[idx_v.at[base_chunk + j]],
                    rows_v.at[pl.ds(j * CHUNK, CHUNK)],
                    sem,
                )
                for j in range(G)
            ]
            for c in copies:
                c.wait()
            c0 = wid * ROWS_PER_W + i * GROUP
            blk = c0 // (2 * BP)
            rem = c0 % (2 * BP)
            pltpu.sync_copy(
                rows_v,
                out_hbm.at[pl.ds(blk * BP + rem % BP, GROUP),
                           pl.ds((rem // BP) * D, D)],
            )
            return carry

        lax.fori_loop(0, STEPS, body, 0)

    return gather_kernel(table_lin, idx3)


def _mm_body(x_ref, wblk_ref, b_ref, o_ref):
    zz = lax.dot_general(
        wblk_ref[...], x_ref[...], (((1,), (1,)), ((), ())),
        preferred_element_type=jnp.float32,
    )
    o_ref[:, 0:BP] = zz[0:D, :] + b_ref[...]
    o_ref[:, BP:2 * BP] = zz[D:2 * D, :] + b_ref[...]


def _tc_matmul(x2, Wblk, b2):
    return pl.pallas_call(
        _mm_body,
        out_shape=jax.ShapeDtypeStruct((D, N), jnp.float32),
        grid=(N // (2 * BP),),
        in_specs=[
            pl.BlockSpec((BP, 2 * D), lambda j: (j, 0)),
            pl.BlockSpec((2 * D, 2 * D), lambda j: (0, 0)),
            pl.BlockSpec((D, 1), lambda j: (0, 0)),
        ],
        out_specs=pl.BlockSpec((D, 2 * BP), lambda j: (0, j)),
    )(x2, Wblk, b2)


def kernel(indices, offsets, table, W, b):
    del offsets
    blk = indices // (2 * BP)
    rem = indices % (2 * BP)
    idx2 = (blk * BP + (rem % BP)) * 2 + rem // BP
    idx3 = idx2.reshape(NW, CHUNKS_PER_W, CHUNK)
    eye2 = jnp.eye(2 * D, dtype=jnp.float32)
    wblk = jnp.kron(jnp.eye(2, dtype=jnp.float32), W)
    b2 = b.reshape(D, 1)
    table2 = _tc_relayout(table.T, eye2)
    table_lin = table2.reshape(2 * VPAD, D)
    x2 = _sc_gather(table_lin, idx3)
    out_t = _tc_matmul(x2, wblk, b2)
    return out_t.T

# --- scband reference (transcript-rebuilt; emitter-appended) ---
"""Pipeline reference for scband-secondary-learned-embedding-64742337020520 (READ-ONLY COPY).

The authoritative reference and input builder live on the scoring server;
editing this copy changes nothing except your own understanding.
"""

import jax, jax.numpy as jnp
import numpy as np

VOCAB = 1000000
D = 64
N = 819200


def setup_inputs(seed: int = 0) -> dict:
    key = jax.random.key(seed)
    k1, k2, k3, k4 = jax.random.split(key, 4)
    indices = jax.random.randint(k1, (N,), 0, VOCAB, dtype=jnp.int32)
    # offsets = arange -> each bag contains exactly one index (EmbeddingBag semantics)
    offsets = jnp.arange(N, dtype=jnp.int32)
    table = jax.random.normal(k2, (VOCAB, D), dtype=jnp.float32) * 0.02
    W = jax.random.normal(k3, (D, D), dtype=jnp.float32) * (1.0 / np.sqrt(D))
    b = jax.random.normal(k4, (D,), dtype=jnp.float32) * 0.01
    return {"indices": indices, "offsets": offsets, "table": table, "W": W, "b": b}


def reference(indices, offsets, table, W, b):
    # underlying_embedding: EmbeddingBag(mode='sum') with explicit offsets.
    # bag i sums table rows for indices[offsets[i]:offsets[i+1]].
    n = indices.shape[0]
    emb = jnp.take(table, indices, axis=0)  # gather [N, D]
    seg_ids = jnp.searchsorted(offsets, jnp.arange(n), side='right') - 1
    pooled = jax.ops.segment_sum(emb, seg_ids, num_segments=offsets.shape[0])  # [B, D]
    # primary_embedding.view(-1, D) is a no-op here (already 2D)
    # learn_model: Linear(D, D)
    secondary = pooled @ W.T + b
    # view(*i_shape, D) -> [N, D]; holds because each bag has exactly one index
    return secondary.reshape(n, D)

if __name__ == "__main__":
    import jax
    _d = setup_inputs()
    print(jax.jit(kernel)(*tuple(_d.values())))

</pallas_src>

<mosaic_0001>
#map = affine_map<(d0, d1) -> (0, 0)>
#map1 = affine_map<(d0, d1) -> (0, 0, 0)>
module attributes {stable_mosaic.version = 14 : i64} {
  func.func @gather_kernel(%arg0: i32, %arg1: i32, %arg2: memref<1015808x64xf32, #tpu.memory_space<hbm>>, %arg3: memref<32x200x128xi32, #tpu.memory_space<hbm>>, %arg4: memref<409600x128xf32, #tpu.memory_space<hbm>>, %arg5: memref<200x128xi32, #tpu.memory_space<vmem>>, %arg6: memref<1024x64xf32, #tpu.memory_space<vmem>>, %arg7: memref<!tpu.dma_semaphore, #tpu.memory_space<semaphore_mem>>) attributes {dimension_semantics = [#tpu.dimension_semantics<core_parallel>, #tpu.dimension_semantics<subcore_parallel>], iteration_bounds = array<i64: 2, 16>, scalar_prefetch = 0 : i64, scratch_operands = 3 : i64, tpu.core_type = #tpu.core_type<sc_vector_subcore>, window_params = [{transform_indices = #map}, {transform_indices = #map1}, {transform_indices = #map}]} {
    %mul3A = arith.constant 2 : i32
    %mul3A_0 = arith.muli %arg1, %mul3A : i32
    %add3A = arith.addi %mul3A_0, %arg0 : i32
    "tpu.region"() ({
      %run_scoped3A = tpu.sem_alloc : memref<!tpu.dma_semaphore, #tpu.memory_space<semaphore_mem>>
      %dma_start3A = arith.constant 0 : i32
      %dma_start3A_6 = arith.constant 0 : i32
      %dma_start3A_7 = tpu.memref_slice %arg3[%add3A, %dma_start3A, %dma_start3A_6] : memref<32x200x128xi32, #tpu.memory_space<hbm>> -> memref<1x200x128xi32, #tpu.memory_space<hbm>>
      %dma_start3A_8 = tpu.memref_squeeze %dma_start3A_7 : memref<1x200x128xi32, #tpu.memory_space<hbm>> -> memref<200x128xi32, #tpu.memory_space<hbm>>
      %dma_start3A_9 = arith.constant 0 : i32
      %dma_start3A_10 = arith.constant 0 : i32
      %dma_start3A_11 = tpu.memref_slice %arg3[%add3A, %dma_start3A_9, %dma_start3A_10] : memref<32x200x128xi32, #tpu.memory_space<hbm>> -> memref<1x200x128xi32, #tpu.memory_space<hbm>>
      %dma_start3A_12 = tpu.memref_squeeze %dma_start3A_11 : memref<1x200x128xi32, #tpu.memory_space<hbm>> -> memref<200x128xi32, #tpu.memory_space<hbm>>
      tpu.enqueue_dma source(%dma_start3A_12 : memref<200x128xi32, #tpu.memory_space<hbm>>) target(%arg5 : memref<200x128xi32, #tpu.memory_space<vmem>>) target_semaphore(%run_scoped3A : memref<!tpu.dma_semaphore, #tpu.memory_space<semaphore_mem>>)
      %dma_wait3A = arith.constant 0 : i32
      %dma_wait3A_13 = arith.constant 0 : i32
      %dma_wait3A_14 = tpu.memref_slice %arg3[%add3A, %dma_wait3A, %dma_wait3A_13] : memref<32x200x128xi32, #tpu.memory_space<hbm>> -> memref<1x200x128xi32, #tpu.memory_space<hbm>>
      %dma_wait3A_15 = tpu.memref_squeeze %dma_wait3A_14 : memref<1x200x128xi32, #tpu.memory_space<hbm>> -> memref<200x128xi32, #tpu.memory_space<hbm>>
      %dma_wait3A_16 = arith.constant 0 : i32
      %dma_wait3A_17 = arith.constant 0 : i32
      %dma_wait3A_18 = tpu.memref_slice %arg3[%add3A, %dma_wait3A_16, %dma_wait3A_17] : memref<32x200x128xi32, #tpu.memory_space<hbm>> -> memref<1x200x128xi32, #tpu.memory_space<hbm>>
      %dma_wait3A_19 = tpu.memref_squeeze %dma_wait3A_18 : memref<1x200x128xi32, #tpu.memory_space<hbm>> -> memref<200x128xi32, #tpu.memory_space<hbm>>
      tpu.wait_dma2 semaphore(%run_scoped3A : memref<!tpu.dma_semaphore, #tpu.memory_space<semaphore_mem>>) src(%dma_wait3A_19 : memref<200x128xi32, #tpu.memory_space<hbm>>) dst(%arg5 : memref<200x128xi32, #tpu.memory_space<vmem>>)
      tpu.yield
    }) : () -> ()
    %scan3A = arith.constant 0 : i32
    %scan3A_1 = arith.constant 0 : i32
    %scan3A_2 = arith.constant 25 : i32
    %scan3A_3 = arith.addi %scan3A_1, %scan3A_2 : i32
    %scan3A_4 = arith.constant 1 : i32
    scf.for %scan3A_6 = %scan3A_1 to %scan3A_3 step %scan3A_4  : i32 {
      %mul3A_7 = arith.constant 8 : i32
      %mul3A_8 = arith.muli %scan3A_6, %mul3A_7 : i32
      %add3A_9 = arith.constant 0 : i32
      %add3A_10 = arith.addi %mul3A_8, %add3A_9 : i32
      %dma_start3A = arith.constant 0 : i32
      %dma_start3A_11 = arith.constant 0 : i32
      %dma_start3A_12 = tpu.memref_slice %arg6[%dma_start3A, %dma_start3A_11] : memref<1024x64xf32, #tpu.memory_space<vmem>> -> memref<128x64xf32, #tpu.memory_space<vmem>>
      %dma_start3A_13 = arith.constant 0 : i32
      %dma_start3A_14 = tpu.memref_slice %arg5[%add3A_10, %dma_start3A_13] : memref<200x128xi32, #tpu.memory_space<vmem>> -> memref<1x128xi32, #tpu.memory_space<vmem>>
      %dma_start3A_15 = tpu.memref_squeeze %dma_start3A_14 : memref<1x128xi32, #tpu.memory_space<vmem>> -> memref<128xi32, #tpu.memory_space<vmem>>
      %dma_start3A_16 = arith.constant 0 : i32
      %dma_start3A_17 = arith.constant 0 : i32
      %dma_start3A_18 = tpu.memref_slice %arg2[%dma_start3A_16, %dma_start3A_17] : memref<1015808x64xf32, #tpu.memory_space<hbm>> -> memref<1015808x64xf32, #tpu.memory_space<hbm>>
      tpu.enqueue_indirect_dma source(%dma_start3A_18 : memref<1015808x64xf32, #tpu.memory_space<hbm>>) target(%dma_start3A_12 : memref<128x64xf32, #tpu.memory_space<vmem>>) offsets(%dma_start3A_15 : memref<128xi32, #tpu.memory_space<vmem>>) semaphore(%arg7 : memref<!tpu.dma_semaphore, #tpu.memory_space<semaphore_mem>>)
      %add3A_19 = arith.constant 1 : i32
      %add3A_20 = arith.addi %mul3A_8, %add3A_19 : i32
      %dma_start3A_21 = arith.constant 128 : i32
      %dma_start3A_22 = arith.constant 0 : i32
      %dma_start3A_23 = tpu.memref_slice %arg6[%dma_start3A_21, %dma_start3A_22] : memref<1024x64xf32, #tpu.memory_space<vmem>> -> memref<128x64xf32, #tpu.memory_space<vmem>>
      %dma_start3A_24 = arith.constant 0 : i32
      %dma_start3A_25 = tpu.memref_slice %arg5[%add3A_20, %dma_start3A_24] : memref<200x128xi32, #tpu.memory_space<vmem>> -> memref<1x128xi32, #tpu.memory_space<vmem>>
      %dma_start3A_26 = tpu.memref_squeeze %dma_start3A_25 : memref<1x128xi32, #tpu.memory_space<vmem>> -> memref<128xi32, #tpu.memory_space<vmem>>
      %dma_start3A_27 = arith.constant 0 : i32
      %dma_start3A_28 = arith.constant 0 : i32
      %dma_start3A_29 = tpu.memref_slice %arg2[%dma_start3A_27, %dma_start3A_28] : memref<1015808x64xf32, #tpu.memory_space<hbm>> -> memref<1015808x64xf32, #tpu.memory_space<hbm>>
      tpu.enqueue_indirect_dma source(%dma_start3A_29 : memref<1015808x64xf32, #tpu.memory_space<hbm>>) target(%dma_start3A_23 : memref<128x64xf32, #tpu.memory_space<vmem>>) offsets(%dma_start3A_26 : memref<128xi32, #tpu.memory_space<vmem>>) semaphore(%arg7 : memref<!tpu.dma_semaphore, #tpu.memory_space<semaphore_mem>>)
      %add3A_30 = arith.constant 2 : i32
      %add3A_31 = arith.addi %mul3A_8, %add3A_30 : i32
      %dma_start3A_32 = arith.constant 256 : i32
      %dma_start3A_33 = arith.constant 0 : i32
      %dma_start3A_34 = tpu.memref_slice %arg6[%dma_start3A_32, %dma_start3A_33] : memref<1024x64xf32, #tpu.memory_space<vmem>> -> memref<128x64xf32, #tpu.memory_space<vmem>>
      %dma_start3A_35 = arith.constant 0 : i32
      %dma_start3A_36 = tpu.memref_slice %arg5[%add3A_31, %dma_start3A_35] : memref<200x128xi32, #tpu.memory_space<vmem>> -> memref<1x128xi32, #tpu.memory_space<vmem>>
      %dma_start3A_37 = tpu.memref_squeeze %dma_start3A_36 : memref<1x128xi32, #tpu.memory_space<vmem>> -> memref<128xi32, #tpu.memory_space<vmem>>
      %dma_start3A_38 = arith.constant 0 : i32
      %dma_start3A_39 = arith.constant 0 : i32
      %dma_start3A_40 = tpu.memref_slice %arg2[%dma_start3A_38, %dma_start3A_39] : memref<1015808x64xf32, #tpu.memory_space<hbm>> -> memref<1015808x64xf32, #tpu.memory_space<hbm>>
      tpu.enqueue_indirect_dma source(%dma_start3A_40 : memref<1015808x64xf32, #tpu.memory_space<hbm>>) target(%dma_start3A_34 : memref<128x64xf32, #tpu.memory_space<vmem>>) offsets(%dma_start3A_37 : memref<128xi32, #tpu.memory_space<vmem>>) semaphore(%arg7 : memref<!tpu.dma_semaphore, #tpu.memory_space<semaphore_mem>>)
      %add3A_41 = arith.constant 3 : i32
      %add3A_42 = arith.addi %mul3A_8, %add3A_41 : i32
      %dma_start3A_43 = arith.constant 384 : i32
      %dma_start3A_44 = arith.constant 0 : i32
      %dma_start3A_45 = tpu.memref_slice %arg6[%dma_start3A_43, %dma_start3A_44] : memref<1024x64xf32, #tpu.memory_space<vmem>> -> memref<128x64xf32, #tpu.memory_space<vmem>>
      %dma_start3A_46 = arith.constant 0 : i32
      %dma_start3A_47 = tpu.memref_slice %arg5[%add3A_42, %dma_start3A_46] : memref<200x128xi32, #tpu.memory_space<vmem>> -> memref<1x128xi32, #tpu.memory_space<vmem>>
      %dma_start3A_48 = tpu.memref_squeeze %dma_start3A_47 : memref<1x128xi32, #tpu.memory_space<vmem>> -> memref<128xi32, #tpu.memory_space<vmem>>
      %dma_start3A_49 = arith.constant 0 : i32
      %dma_start3A_50 = arith.constant 0 : i32
      %dma_start3A_51 = tpu.memref_slice %arg2[%dma_start3A_49, %dma_start3A_50] : memref<1015808x64xf32, #tpu.memory_space<hbm>> -> memref<1015808x64xf32, #tpu.memory_space<hbm>>
      tpu.enqueue_indirect_dma source(%dma_start3A_51 : memref<1015808x64xf32, #tpu.memory_space<hbm>>) target(%dma_start3A_45 : memref<128x64xf32, #tpu.memory_space<vmem>>) offsets(%dma_start3A_48 : memref<128xi32, #tpu.memory_space<vmem>>) semaphore(%arg7 : memref<!tpu.dma_semaphore, #tpu.memory_space<semaphore_mem>>)
      %add3A_52 = arith.constant 4 : i32
      %add3A_53 = arith.addi %mul3A_8, %add3A_52 : i32
      %dma_start3A_54 = arith.constant 512 : i32
      %dma_start3A_55 = arith.constant 0 : i32
      %dma_start3A_56 = tpu.memref_slice %arg6[%dma_start3A_54, %dma_start3A_55] : memref<1024x64xf32, #tpu.memory_space<vmem>> -> memref<128x64xf32, #tpu.memory_space<vmem>>
      %dma_start3A_57 = arith.constant 0 : i32
      %dma_start3A_58 = tpu.memref_slice %arg5[%add3A_53, %dma_start3A_57] : memref<200x128xi32, #tpu.memory_space<vmem>> -> memref<1x128xi32, #tpu.memory_space<vmem>>
      %dma_start3A_59 = tpu.memref_squeeze %dma_start3A_58 : memref<1x128xi32, #tpu.memory_space<vmem>> -> memref<128xi32, #tpu.memory_space<vmem>>
      %dma_start3A_60 = arith.constant 0 : i32
      %dma_start3A_61 = arith.constant 0 : i32
      %dma_start3A_62 = tpu.memref_slice %arg2[%dma_start3A_60, %dma_start3A_61] : memref<1015808x64xf32, #tpu.memory_space<hbm>> -> memref<1015808x64xf32, #tpu.memory_space<hbm>>
      tpu.enqueue_indirect_dma source(%dma_start3A_62 : memref<1015808x64xf32, #tpu.memory_space<hbm>>) target(%dma_start3A_56 : memref<128x64xf32, #tpu.memory_space<vmem>>) offsets(%dma_start3A_59 : memref<128xi32, #tpu.memory_space<vmem>>) semaphore(%arg7 : memref<!tpu.dma_semaphore, #tpu.memory_space<semaphore_mem>>)
      %add3A_63 = arith.constant 5 : i32
      %add3A_64 = arith.addi %mul3A_8, %add3A_63 : i32
      %dma_start3A_65 = arith.constant 640 : i32
      %dma_start3A_66 = arith.constant 0 : i32
      %dma_start3A_67 = tpu.memref_slice %arg6[%dma_start3A_65, %dma_start3A_66] : memref<1024x64xf32, #tpu.memory_space<vmem>> -> memref<128x64xf32, #tpu.memory_space<vmem>>
      %dma_start3A_68 = arith.constant 0 : i32
      %dma_start3A_69 = tpu.memref_slice %arg5[%add3A_64, %dma_start3A_68] : memref<200x128xi32, #tpu.memory_space<vmem>> -> memref<1x128xi32, #tpu.memory_space<vmem>>
      %dma_start3A_70 = tpu.memref_squeeze %dma_start3A_69 : memref<1x128xi32, #tpu.memory_space<vmem>> -> memref<128xi32, #tpu.memory_space<vmem>>
      %dma_start3A_71 = arith.constant 0 : i32
      %dma_start3A_72 = arith.constant 0 : i32
      %dma_start3A_73 = tpu.memref_slice %arg2[%dma_start3A_71, %dma_start3A_72] : memref<1015808x64xf32, #tpu.memory_space<hbm>> -> memref<1015808x64xf32, #tpu.memory_space<hbm>>
      tpu.enqueue_indirect_dma source(%dma_start3A_73 : memref<1015808x64xf32, #tpu.memory_space<hbm>>) target(%dma_start3A_67 : memref<128x64xf32, #tpu.memory_space<vmem>>) offsets(%dma_start3A_70 : memref<128xi32, #tpu.memory_space<vmem>>) semaphore(%arg7 : memref<!tpu.dma_semaphore, #tpu.memory_space<semaphore_mem>>)
      %add3A_74 = arith.constant 6 : i32
      %add3A_75 = arith.addi %mul3A_8, %add3A_74 : i32
      %dma_start3A_76 = arith.constant 768 : i32
      %dma_start3A_77 = arith.constant 0 : i32
      %dma_start3A_78 = tpu.memref_slice %arg6[%dma_start3A_76, %dma_start3A_77] : memref<1024x64xf32, #tpu.memory_space<vmem>> -> memref<128x64xf32, #tpu.memory_space<vmem>>
      %dma_start3A_79 = arith.constant 0 : i32
      %dma_start3A_80 = tpu.memref_slice %arg5[%add3A_75, %dma_start3A_79] : memref<200x128xi32, #tpu.memory_space<vmem>> -> memref<1x128xi32, #tpu.memory_space<vmem>>
      %dma_start3A_81 = tpu.memref_squeeze %dma_start3A_80 : memref<1x128xi32, #tpu.memory_space<vmem>> -> memref<128xi32, #tpu.memory_space<vmem>>
      %dma_start3A_82 = arith.constant 0 : i32
      %dma_start3A_83 = arith.constant 0 : i32
      %dma_start3A_84 = tpu.memref_slice %arg2[%dma_start3A_82, %dma_start3A_83] : memref<1015808x64xf32, #tpu.memory_space<hbm>> -> memref<1015808x64xf32, #tpu.memory_space<hbm>>
      tpu.enqueue_indirect_dma source(%dma_start3A_84 : memref<1015808x64xf32, #tpu.memory_space<hbm>>) target(%dma_start3A_78 : memref<128x64xf32, #tpu.memory_space<vmem>>) offsets(%dma_start3A_81 : memref<128xi32, #tpu.memory_space<vmem>>) semaphore(%arg7 : memref<!tpu.dma_semaphore, #tpu.memory_space<semaphore_mem>>)
      %add3A_85 = arith.constant 7 : i32
      %add3A_86 = arith.addi %mul3A_8, %add3A_85 : i32
      %dma_start3A_87 = arith.constant 896 : i32
      %dma_start3A_88 = arith.constant 0 : i32
      %dma_start3A_89 = tpu.memref_slice %arg6[%dma_start3A_87, %dma_start3A_88] : memref<1024x64xf32, #tpu.memory_space<vmem>> -> memref<128x64xf32, #tpu.memory_space<vmem>>
      %dma_start3A_90 = arith.constant 0 : i32
      %dma_start3A_91 = tpu.memref_slice %arg5[%add3A_86, %dma_start3A_90] : memref<200x128xi32, #tpu.memory_space<vmem>> -> memref<1x128xi32, #tpu.memory_space<vmem>>
      %dma_start3A_92 = tpu.memref_squeeze %dma_start3A_91 : memref<1x128xi32, #tpu.memory_space<vmem>> -> memref<128xi32, #tpu.memory_space<vmem>>
      %dma_start3A_93 = arith.constant 0 : i32
      %dma_start3A_94 = arith.constant 0 : i32
      %dma_start3A_95 = tpu.memref_slice %arg2[%dma_start3A_93, %dma_start3A_94] : memref<1015808x64xf32, #tpu.memory_space<hbm>> -> memref<1015808x64xf32, #tpu.memory_space<hbm>>
      tpu.enqueue_indirect_dma source(%dma_start3A_95 : memref<1015808x64xf32, #tpu.memory_space<hbm>>) target(%dma_start3A_89 : memref<128x64xf32, #tpu.memory_space<vmem>>) offsets(%dma_start3A_92 : memref<128xi32, #tpu.memory_space<vmem>>) semaphore(%arg7 : memref<!tpu.dma_semaphore, #tpu.memory_space<semaphore_mem>>)
      %dma_wait3A = arith.constant 0 : i32
      %dma_wait3A_96 = arith.constant 0 : i32
      %dma_wait3A_97 = tpu.memref_slice %arg6[%dma_wait3A, %dma_wait3A_96] : memref<1024x64xf32, #tpu.memory_space<vmem>> -> memref<128x64xf32, #tpu.memory_space<vmem>>
      %dma_wait3A_98 = arith.constant 0 : i32
      %dma_wait3A_99 = tpu.memref_slice %arg5[%add3A_10, %dma_wait3A_98] : memref<200x128xi32, #tpu.memory_space<vmem>> -> memref<1x128xi32, #tpu.memory_space<vmem>>
      %dma_wait3A_100 = tpu.memref_squeeze %dma_wait3A_99 : memref<1x128xi32, #tpu.memory_space<vmem>> -> memref<128xi32, #tpu.memory_space<vmem>>
      %dma_wait3A_101 = arith.constant 0 : i32
      %dma_wait3A_102 = arith.constant 0 : i32
      %dma_wait3A_103 = tpu.memref_slice %arg2[%dma_wait3A_101, %dma_wait3A_102] : memref<1015808x64xf32, #tpu.memory_space<hbm>> -> memref<1015808x64xf32, #tpu.memory_space<hbm>>
      tpu.wait_indirect_dma semaphore(%arg7 : memref<!tpu.dma_semaphore, #tpu.memory_space<semaphore_mem>>) src(%dma_wait3A_103 : memref<1015808x64xf32, #tpu.memory_space<hbm>>) dst(%dma_wait3A_97 : memref<128x64xf32, #tpu.memory_space<vmem>>)
      %dma_wait3A_104 = arith.constant 128 : i32
      %dma_wait3A_105 = arith.constant 0 : i32
      %dma_wait3A_106 = tpu.memref_slice %arg6[%dma_wait3A_104, %dma_wait3A_105] : memref<1024x64xf32, #tpu.memory_space<vmem>> -> memref<128x64xf32, #tpu.memory_space<vmem>>
      %dma_wait3A_107 = arith.constant 0 : i32
      %dma_wait3A_108 = tpu.memref_slice %arg5[%add3A_20, %dma_wait3A_107] : memref<200x128xi32, #tpu.memory_space<vmem>> -> memref<1x128xi32, #tpu.memory_space<vmem>>
      %dma_wait3A_109 = tpu.memref_squeeze %dma_wait3A_108 : memref<1x128xi32, #tpu.memory_space<vmem>> -> memref<128xi32, #tpu.memory_space<vmem>>
      %dma_wait3A_110 = arith.constant 0 : i32
      %dma_wait3A_111 = arith.constant 0 : i32
      %dma_wait3A_112 = tpu.memref_slice %arg2[%dma_wait3A_110, %dma_wait3A_111] : memref<1015808x64xf32, #tpu.memory_space<hbm>> -> memref<1015808x64xf32, #tpu.memory_space<hbm>>
      tpu.wait_indirect_dma semaphore(%arg7 : memref<!tpu.dma_semaphore, #tpu.memory_space<semaphore_mem>>) src(%dma_wait3A_112 : memref<1015808x64xf32, #tpu.memory_space<hbm>>) dst(%dma_wait3A_106 : memref<128x64xf32, #tpu.memory_space<vmem>>)
      %dma_wait3A_113 = arith.constant 256 : i32
      %dma_wait3A_114 = arith.constant 0 : i32
      %dma_wait3A_115 = tpu.memref_slice %arg6[%dma_wait3A_113, %dma_wait3A_114] : memref<1024x64xf32, #tpu.memory_space<vmem>> -> memref<128x64xf32, #tpu.memory_space<vmem>>
      %dma_wait3A_116 = arith.constant 0 : i32
      %dma_wait3A_117 = tpu.memref_slice %arg5[%add3A_31, %dma_wait3A_116] : memref<200x128xi32, #tpu.memory_space<vmem>> -> memref<1x128xi32, #tpu.memory_space<vmem>>
      %dma_wait3A_118 = tpu.memref_squeeze %dma_wait3A_117 : memref<1x128xi32, #tpu.memory_space<vmem>> -> memref<128xi32, #tpu.memory_space<vmem>>
      %dma_wait3A_119 = arith.constant 0 : i32
      %dma_wait3A_120 = arith.constant 0 : i32
      %dma_wait3A_121 = tpu.memref_slice %arg2[%dma_wait3A_119, %dma_wait3A_120] : memref<1015808x64xf32, #tpu.memory_space<hbm>> -> memref<1015808x64xf32, #tpu.memory_space<hbm>>
      tpu.wait_indirect_dma semaphore(%arg7 : memref<!tpu.dma_semaphore, #tpu.memory_space<semaphore_mem>>) src(%dma_wait3A_121 : memref<1015808x64xf32, #tpu.memory_space<hbm>>) dst(%dma_wait3A_115 : memref<128x64xf32, #tpu.memory_space<vmem>>)
      %dma_wait3A_122 = arith.constant 384 : i32
      %dma_wait3A_123 = arith.constant 0 : i32
      %dma_wait3A_124 = tpu.memref_slice %arg6[%dma_wait3A_122, %dma_wait3A_123] : memref<1024x64xf32, #tpu.memory_space<vmem>> -> memref<128x64xf32, #tpu.memory_space<vmem>>
      %dma_wait3A_125 = arith.constant 0 : i32
      %dma_wait3A_126 = tpu.memref_slice %arg5[%add3A_42, %dma_wait3A_125] : memref<200x128xi32, #tpu.memory_space<vmem>> -> memref<1x128xi32, #tpu.memory_space<vmem>>
      %dma_wait3A_127 = tpu.memref_squeeze %dma_wait3A_126 : memref<1x128xi32, #tpu.memory_space<vmem>> -> memref<128xi32, #tpu.memory_space<vmem>>
      %dma_wait3A_128 = arith.constant 0 : i32
      %dma_wait3A_129 = arith.constant 0 : i32
      %dma_wait3A_130 = tpu.memref_slice %arg2[%dma_wait3A_128, %dma_wait3A_129] : memref<1015808x64xf32, #tpu.memory_space<hbm>> -> memref<1015808x64xf32, #tpu.memory_space<hbm>>
      tpu.wait_indirect_dma semaphore(%arg7 : memref<!tpu.dma_semaphore, #tpu.memory_space<semaphore_mem>>) src(%dma_wait3A_130 : memref<1015808x64xf32, #tpu.memory_space<hbm>>) dst(%dma_wait3A_124 : memref<128x64xf32, #tpu.memory_space<vmem>>)
      %dma_wait3A_131 = arith.constant 512 : i32
      %dma_wait3A_132 = arith.constant 0 : i32
      %dma_wait3A_133 = tpu.memref_slice %arg6[%dma_wait3A_131, %dma_wait3A_132] : memref<1024x64xf32, #tpu.memory_space<vmem>> -> memref<128x64xf32, #tpu.memory_space<vmem>>
      %dma_wait3A_134 = arith.constant 0 : i32
      %dma_wait3A_135 = tpu.memref_slice %arg5[%add3A_53, %dma_wait3A_134] : memref<200x128xi32, #tpu.memory_space<vmem>> -> memref<1x128xi32, #tpu.memory_space<vmem>>
      %dma_wait3A_136 = tpu.memref_squeeze %dma_wait3A_135 : memref<1x128xi32, #tpu.memory_space<vmem>> -> memref<128xi32, #tpu.memory_space<vmem>>
      %dma_wait3A_137 = arith.constant 0 : i32
      %dma_wait3A_138 = arith.constant 0 : i32
      %dma_wait3A_139 = tpu.memref_slice %arg2[%dma_wait3A_137, %dma_wait3A_138] : memref<1015808x64xf32, #tpu.memory_space<hbm>> -> memref<1015808x64xf32, #tpu.memory_space<hbm>>
      tpu.wait_indirect_dma semaphore(%arg7 : memref<!tpu.dma_semaphore, #tpu.memory_space<semaphore_mem>>) src(%dma_wait3A_139 : memref<1015808x64xf32, #tpu.memory_space<hbm>>) dst(%dma_wait3A_133 : memref<128x64xf32, #tpu.memory_space<vmem>>)
      %dma_wait3A_140 = arith.constant 640 : i32
      %dma_wait3A_141 = arith.constant 0 : i32
      %dma_wait3A_142 = tpu.memref_slice %arg6[%dma_wait3A_140, %dma_wait3A_141] : memref<1024x64xf32, #tpu.memory_space<vmem>> -> memref<128x64xf32, #tpu.memory_space<vmem>>
      %dma_wait3A_143 = arith.constant 0 : i32
      %dma_wait3A_144 = tpu.memref_slice %arg5[%add3A_64, %dma_wait3A_143] : memref<200x128xi32, #tpu.memory_space<vmem>> -> memref<1x128xi32, #tpu.memory_space<vmem>>
      %dma_wait3A_145 = tpu.memref_squeeze %dma_wait3A_144 : memref<1x128xi32, #tpu.memory_space<vmem>> -> memref<128xi32, #tpu.memory_space<vmem>>
      %dma_wait3A_146 = arith.constant 0 : i32
      %dma_wait3A_147 = arith.constant 0 : i32
      %dma_wait3A_148 = tpu.memref_slice %arg2[%dma_wait3A_146, %dma_wait3A_147] : memref<1015808x64xf32, #tpu.memory_space<hbm>> -> memref<1015808x64xf32, #tpu.memory_space<hbm>>
      tpu.wait_indirect_dma semaphore(%arg7 : memref<!tpu.dma_semaphore, #tpu.memory_space<semaphore_mem>>) src(%dma_wait3A_148 : memref<1015808x64xf32, #tpu.memory_space<hbm>>) dst(%dma_wait3A_142 : memref<128x64xf32, #tpu.memory_space<vmem>>)
      %dma_wait3A_149 = arith.constant 768 : i32
      %dma_wait3A_150 = arith.constant 0 : i32
      %dma_wait3A_151 = tpu.memref_slice %arg6[%dma_wait3A_149, %dma_wait3A_150] : memref<1024x64xf32, #tpu.memory_space<vmem>> -> memref<128x64xf32, #tpu.memory_space<vmem>>
      %dma_wait3A_152 = arith.constant 0 : i32
      %dma_wait3A_153 = tpu.memref_slice %arg5[%add3A_75, %dma_wait3A_152] : memref<200x128xi32, #tpu.memory_space<vmem>> -> memref<1x128xi32, #tpu.memory_space<vmem>>
      %dma_wait3A_154 = tpu.memref_squeeze %dma_wait3A_153 : memref<1x128xi32, #tpu.memory_space<vmem>> -> memref<128xi32, #tpu.memory_space<vmem>>
      %dma_wait3A_155 = arith.constant 0 : i32
      %dma_wait3A_156 = arith.constant 0 : i32
      %dma_wait3A_157 = tpu.memref_slice %arg2[%dma_wait3A_155, %dma_wait3A_156] : memref<1015808x64xf32, #tpu.memory_space<hbm>> -> memref<1015808x64xf32, #tpu.memory_space<hbm>>
      tpu.wait_indirect_dma semaphore(%arg7 : memref<!tpu.dma_semaphore, #tpu.memory_space<semaphore_mem>>) src(%dma_wait3A_157 : memref<1015808x64xf32, #tpu.memory_space<hbm>>) dst(%dma_wait3A_151 : memref<128x64xf32, #tpu.memory_space<vmem>>)
      %dma_wait3A_158 = arith.constant 896 : i32
      %dma_wait3A_159 = arith.constant 0 : i32
      %dma_wait3A_160 = tpu.memref_slice %arg6[%dma_wait3A_158, %dma_wait3A_159] : memref<1024x64xf32, #tpu.memory_space<vmem>> -> memref<128x64xf32, #tpu.memory_space<vmem>>
      %dma_wait3A_161 = arith.constant 0 : i32
      %dma_wait3A_162 = tpu.memref_slice %arg5[%add3A_86, %dma_wait3A_161] : memref<200x128xi32, #tpu.memory_space<vmem>> -> memref<1x128xi32, #tpu.memory_space<vmem>>
      %dma_wait3A_163 = tpu.memref_squeeze %dma_wait3A_162 : memref<1x128xi32, #tpu.memory_space<vmem>> -> memref<128xi32, #tpu.memory_space<vmem>>
      %dma_wait3A_164 = arith.constant 0 : i32
      %dma_wait3A_165 = arith.constant 0 : i32
      %dma_wait3A_166 = tpu.memref_slice %arg2[%dma_wait3A_164, %dma_wait3A_165] : memref<1015808x64xf32, #tpu.memory_space<hbm>> -> memref<1015808x64xf32, #tpu.memory_space<hbm>>
      tpu.wait_indirect_dma semaphore(%arg7 : memref<!tpu.dma_semaphore, #tpu.memory_space<semaphore_mem>>) src(%dma_wait3A_166 : memref<1015808x64xf32, #tpu.memory_space<hbm>>) dst(%dma_wait3A_160 : memref<128x64xf32, #tpu.memory_space<vmem>>)
      %mul3A_167 = arith.constant 25600 : i32
      %mul3A_168 = arith.muli %add3A, %mul3A_167 : i32
      %mul3A_169 = arith.constant 1024 : i32
      %mul3A_170 = arith.muli %scan3A_6, %mul3A_169 : i32
      %add3A_171 = arith.addi %mul3A_168, %mul3A_170 : i32
      %jit3A = arith.constant 16384 : i32
      %div3A = arith.divsi %add3A_171, %jit3A : i32
      %sign3A = arith.constant 0 : i32
      %sign3A_172 = arith.cmpi sgt, %add3A_171, %sign3A : i32
      %sign3A_173 = arith.extui %sign3A_172 : i1 to i32
      %sign3A_174 = arith.constant 0 : i32
      %sign3A_175 = arith.cmpi slt, %add3A_171, %sign3A_174 : i32
      %sign3A_176 = arith.extui %sign3A_175 : i1 to i32
      %sign3A_177 = arith.subi %sign3A_173, %sign3A_176 : i32
      %sign3A_178 = arith.constant 0 : i32
      %sign3A_179 = arith.cmpi sgt, %jit3A, %sign3A_178 : i32
      %sign3A_180 = arith.extui %sign3A_179 : i1 to i32
      %sign3A_181 = arith.constant 0 : i32
      %sign3A_182 = arith.cmpi slt, %jit3A, %sign3A_181 : i32
      %sign3A_183 = arith.extui %sign3A_182 : i1 to i32
      %sign3A_184 = arith.subi %sign3A_180, %sign3A_183 : i32
      %ne3A = arith.cmpi ne, %sign3A_177, %sign3A_184 : i32
      %rem3A = arith.remsi %add3A_171, %jit3A : i32
      %ne3A_185 = arith.constant 0 : i32
      %ne3A_186 = arith.cmpi ne, %rem3A, %ne3A_185 : i32
      %and3A = arith.andi %ne3A, %ne3A_186 : i1
      %sub3A = arith.constant 1 : i32
      %sub3A_187 = arith.subi %div3A, %sub3A : i32
      %select_n3A = arith.select %and3A, %sub3A_187, %div3A : i32
      %jit3A_188 = arith.constant 16384 : i32
      %eq3A = arith.constant 0 : i32
      %eq3A_189 = arith.cmpi eq, %jit3A_188, %eq3A : i32
      %jit3A_190 = arith.constant 1 : i32
      %select_n3A_191 = arith.select %eq3A_189, %jit3A_190, %jit3A_188 : i32
      %rem3A_192 = arith.remsi %add3A_171, %select_n3A_191 : i32
      %ne3A_193 = arith.constant 0 : i32
      %ne3A_194 = arith.cmpi ne, %rem3A_192, %ne3A_193 : i32
      %lt3A = arith.constant 0 : i32
      %lt3A_195 = arith.cmpi slt, %rem3A_192, %lt3A : i32
      %lt3A_196 = arith.constant 0 : i32
      %lt3A_197 = arith.cmpi slt, %select_n3A_191, %lt3A_196 : i32
      %ne3A_198 = arith.xori %lt3A_195, %lt3A_197 : i1
      %and3A_199 = arith.andi %ne3A_198, %ne3A_194 : i1
      %add3A_200 = arith.addi %rem3A_192, %select_n3A_191 : i32
      %select_n3A_201 = arith.select %and3A_199, %add3A_200, %rem3A_192 : i32
      %mul3A_202 = arith.constant 8192 : i32
      %mul3A_203 = arith.muli %select_n3A, %mul3A_202 : i32
      %jit3A_204 = arith.constant 8192 : i32
      %eq3A_205 = arith.constant 0 : i32
      %eq3A_206 = arith.cmpi eq, %jit3A_204, %eq3A_205 : i32
      %jit3A_207 = arith.constant 1 : i32
      %select_n3A_208 = arith.select %eq3A_206, %jit3A_207, %jit3A_204 : i32
      %rem3A_209 = arith.remsi %select_n3A_201, %select_n3A_208 : i32
      %ne3A_210 = arith.constant 0 : i32
      %ne3A_211 = arith.cmpi ne, %rem3A_209, %ne3A_210 : i32
      %lt3A_212 = arith.constant 0 : i32
      %lt3A_213 = arith.cmpi slt, %rem3A_209, %lt3A_212 : i32
      %lt3A_214 = arith.constant 0 : i32
      %lt3A_215 = arith.cmpi slt, %select_n3A_208, %lt3A_214 : i32
      %ne3A_216 = arith.xori %lt3A_213, %lt3A_215 : i1
      %and3A_217 = arith.andi %ne3A_216, %ne3A_211 : i1
      %add3A_218 = arith.addi %rem3A_209, %select_n3A_208 : i32
      %select_n3A_219 = arith.select %and3A_217, %add3A_218, %rem3A_209 : i32
      %add3A_220 = arith.addi %mul3A_203, %select_n3A_219 : i32
      %jit3A_221 = arith.constant 8192 : i32
      %div3A_222 = arith.divsi %select_n3A_201, %jit3A_221 : i32
      %sign3A_223 = arith.constant 0 : i32
      %sign3A_224 = arith.cmpi sgt, %select_n3A_201, %sign3A_223 : i32
      %sign3A_225 = arith.extui %sign3A_224 : i1 to i32
      %sign3A_226 = arith.constant 0 : i32
      %sign3A_227 = arith.cmpi slt, %select_n3A_201, %sign3A_226 : i32
      %sign3A_228 = arith.extui %sign3A_227 : i1 to i32
      %sign3A_229 = arith.subi %sign3A_225, %sign3A_228 : i32
      %sign3A_230 = arith.constant 0 : i32
      %sign3A_231 = arith.cmpi sgt, %jit3A_221, %sign3A_230 : i32
      %sign3A_232 = arith.extui %sign3A_231 : i1 to i32
      %sign3A_233 = arith.constant 0 : i32
      %sign3A_234 = arith.cmpi slt, %jit3A_221, %sign3A_233 : i32
      %sign3A_235 = arith.extui %sign3A_234 : i1 to i32
      %sign3A_236 = arith.subi %sign3A_232, %sign3A_235 : i32
      %ne3A_237 = arith.cmpi ne, %sign3A_229, %sign3A_236 : i32
      %rem3A_238 = arith.remsi %select_n3A_201, %jit3A_221 : i32
      %ne3A_239 = arith.constant 0 : i32
      %ne3A_240 = arith.cmpi ne, %rem3A_238, %ne3A_239 : i32
      %and3A_241 = arith.andi %ne3A_237, %ne3A_240 : i1
      %sub3A_242 = arith.constant 1 : i32
      %sub3A_243 = arith.subi %div3A_222, %sub3A_242 : i32
      %select_n3A_244 = arith.select %and3A_241, %sub3A_243, %div3A_222 : i32
      %mul3A_245 = arith.constant 64 : i32
      %mul3A_246 = arith.muli %select_n3A_244, %mul3A_245 : i32
      "tpu.region"() ({
        %run_scoped3A = tpu.sem_alloc : memref<!tpu.dma_semaphore, #tpu.memory_space<semaphore_mem>>
        %dma_start3A_247 = tpu.memref_slice %arg4[%add3A_220, %mul3A_246] : memref<409600x128xf32, #tpu.memory_space<hbm>> -> memref<1024x64xf32, #tpu.memory_space<hbm>>
        %dma_start3A_248 = tpu.memref_slice %arg4[%add3A_220, %mul3A_246] : memref<409600x128xf32, #tpu.memory_space<hbm>> -> memref<1024x64xf32, #tpu.memory_space<hbm>>
        tpu.enqueue_dma source(%arg6 : memref<1024x64xf32, #tpu.memory_space<vmem>>) target(%dma_start3A_248 : memref<1024x64xf32, #tpu.memory_space<hbm>>) target_semaphore(%run_scoped3A : memref<!tpu.dma_semaphore, #tpu.memory_space<semaphore_mem>>)
        %dma_wait3A_249 = tpu.memref_slice %arg4[%add3A_220, %mul3A_246] : memref<409600x128xf32, #tpu.memory_space<hbm>> -> memref<1024x64xf32, #tpu.memory_space<hbm>>
        %dma_wait3A_250 = tpu.memref_slice %arg4[%add3A_220, %mul3A_246] : memref<409600x128xf32, #tpu.memory_space<hbm>> -> memref<1024x64xf32, #tpu.memory_space<hbm>>
        tpu.wait_dma2 semaphore(%run_scoped3A : memref<!tpu.dma_semaphore, #tpu.memory_space<semaphore_mem>>) src(%arg6 : memref<1024x64xf32, #tpu.memory_space<vmem>>) dst(%dma_wait3A_250 : memref<1024x64xf32, #tpu.memory_space<hbm>>)
        tpu.yield
      }) : () -> ()
    }
    %scan3A_5 = arith.constant 25 : i32
    return
  }
}

module attributes {stable_mosaic.version = 14 : i64} {
  func.func @_relayout_body(%arg0: i32, %arg1: memref<64x8192xf32, #tpu.memory_space<vmem>>, %arg2: memref<64x8192xf32, #tpu.memory_space<vmem>>, %arg3: memref<128x128xf32, #tpu.memory_space<vmem>>, %arg4: memref<8192x128xf32, #tpu.memory_space<vmem>>) attributes {dimension_semantics = [#tpu.dimension_semantics<arbitrary>], iteration_bounds = array<i64: 62>, scalar_prefetch = 0 : i64, scratch_operands = 0 : i64, tpu.core_type = #tpu.core_type<tc>, window_params = [{transform_indices = @transform_0, window_bounds = array<i64: 64, 8192>}, {transform_indices = @transform_1, window_bounds = array<i64: 64, 8192>}, {pipeline_mode = #tpu.pipeline_mode<synchronous>, transform_indices = @transform_2, window_bounds = array<i64: 128, 128>}, {transform_indices = @transform_3, window_bounds = array<i64: 8192, 128>}]} {
    %get3A = arith.constant 0 : index
    %get3A_0 = arith.constant 0 : index
    %get3A_1 = vector.load %arg1[%get3A, %get3A_0] : memref<64x8192xf32, #tpu.memory_space<vmem>>, vector<64x8192xf32>
    %get3A_2 = arith.constant 0 : index
    %get3A_3 = arith.constant 0 : index
    %get3A_4 = vector.load %arg2[%get3A_2, %get3A_3] : memref<64x8192xf32, #tpu.memory_space<vmem>>, vector<64x8192xf32>
    %concatenate3A = tpu.concatenate %get3A_1, %get3A_4 in 0 : vector<64x8192xf32>, vector<64x8192xf32> -> vector<128x8192xf32>
    %get3A_5 = arith.constant 0 : index
    %get3A_6 = arith.constant 0 : index
    %get3A_7 = vector.load %arg3[%get3A_5, %get3A_6] : memref<128x128xf32, #tpu.memory_space<vmem>>, vector<128x128xf32>
    %dot_general3A = arith.constant dense<0.000000e+00> : vector<8192x128xf32>
    %dot_general3A_8 = tpu.matmul %concatenate3A, %get3A_7, %dot_general3A {dimension_numbers = #tpu.dot_dimension_numbers<[0], [0], [1], [1], [0, 1, 1, 1], [], []>, transpose_lhs_hint = false} : vector<128x8192xf32>, vector<128x128xf32>, vector<8192x128xf32> -> vector<8192x128xf32>
    %swap3A = arith.constant 0 : index
    %swap3A_9 = arith.constant 0 : index
    %swap3A_10 = vector.load %arg4[%swap3A, %swap3A_9] : memref<8192x128xf32, #tpu.memory_space<vmem>>, vector<8192x128xf32>
    tpu.vector_store %arg4[%swap3A, %swap3A_9], %dot_general3A_8 {strides = array<i32>} : memref<8192x128xf32, #tpu.memory_space<vmem>>, vector<8192x128xf32>,
    return
  }
  func.func @transform_0(%arg0: i32) -> (i32, i32) {
    %mul3A = arith.constant 2 : i32
    %mul3A_0 = arith.muli %mul3A, %arg0 : i32
    %c0_i32 = arith.constant 0 : i32
    %c0_i32_1 = arith.constant 0 : i32
    return %c0_i32, %mul3A_0 : i32, i32
  }
  func.func @transform_1(%arg0: i32) -> (i32, i32) {
    %mul3A = arith.constant 2 : i32
    %mul3A_0 = arith.muli %mul3A, %arg0 : i32
    %add3A = arith.constant 1 : i32
    %add3A_1 = arith.addi %mul3A_0, %add3A : i32
    %min3A = arith.constant 121 : i32
    %min3A_2 = arith.minsi %add3A_1, %min3A : i32
    %c0_i32 = arith.constant 0 : i32
    %c0_i32_3 = arith.constant 0 : i32
    return %c0_i32, %min3A_2 : i32, i32
  }
  func.func @transform_2(%arg0: i32) -> (i32, i32) {
    %c0_i32 = arith.constant 0 : i32
    %c0_i32_0 = arith.constant 0 : i32
    %c0_i32_1 = arith.constant 0 : i32
    return %c0_i32, %c0_i32_0 : i32, i32
  }
  func.func @transform_3(%arg0: i32) -> (i32, i32) {
    %c0_i32 = arith.constant 0 : i32
    %c0_i32_0 = arith.constant 0 : i32
    return %arg0, %c0_i32 : i32, i32
  }
}

module attributes {stable_mosaic.version = 14 : i64} {
  func.func @_mm_body(%arg0: i32, %arg1: memref<8192x128xf32, #tpu.memory_space<vmem>>, %arg2: memref<128x128xf32, #tpu.memory_space<vmem>>, %arg3: memref<64x1xf32, #tpu.memory_space<vmem>>, %arg4: memref<64x16384xf32, #tpu.memory_space<vmem>>) attributes {dimension_semantics = [#tpu.dimension_semantics<arbitrary>], iteration_bounds = array<i64: 50>, scalar_prefetch = 0 : i64, scratch_operands = 0 : i64, tpu.core_type = #tpu.core_type<tc>, window_params = [{transform_indices = @transform_0, window_bounds = array<i64: 8192, 128>}, {pipeline_mode = #tpu.pipeline_mode<synchronous>, transform_indices = @transform_1, window_bounds = array<i64: 128, 128>}, {pipeline_mode = #tpu.pipeline_mode<synchronous>, transform_indices = @transform_2, window_bounds = array<i64: 64, 1>}, {transform_indices = @transform_3, window_bounds = array<i64: 64, 16384>}]} {
    %get3A = arith.constant 0 : index
    %get3A_0 = arith.constant 0 : index
    %get3A_1 = vector.load %arg2[%get3A, %get3A_0] : memref<128x128xf32, #tpu.memory_space<vmem>>, vector<128x128xf32>
    %get3A_2 = arith.constant 0 : index
    %get3A_3 = arith.constant 0 : index
    %get3A_4 = vector.load %arg1[%get3A_2, %get3A_3] : memref<8192x128xf32, #tpu.memory_space<vmem>>, vector<8192x128xf32>
    %dot_general3A = arith.constant dense<0.000000e+00> : vector<128x8192xf32>
    %dot_general3A_5 = tpu.matmul %get3A_1, %get3A_4, %dot_general3A {dimension_numbers = #tpu.dot_dimension_numbers<[1], [1], [0], [0], [0, 0, 1, 0], [], []>, transpose_lhs_hint = false} : vector<128x128xf32>, vector<8192x128xf32>, vector<128x8192xf32> -> vector<128x8192xf32>
    %slice3A = vector.extract_strided_slice %dot_general3A_5 {offsets = [0, 0], sizes = [64, 8192], strides = [1, 1]} : vector<128x8192xf32> to vector<64x8192xf32>
    %get3A_6 = arith.constant 0 : index
    %get3A_7 = arith.constant 0 : index
    %get3A_8 = vector.load %arg3[%get3A_6, %get3A_7] : memref<64x1xf32, #tpu.memory_space<vmem>>, vector<64x1xf32>
    %add3A = vector.broadcast %get3A_8 : vector<64x1xf32> to vector<64x8192xf32>
    %add3A_9 = arith.addf %slice3A, %add3A : vector<64x8192xf32>
    %swap3A = arith.constant 0 : index
    %swap3A_10 = arith.constant 0 : index
    %swap3A_11 = vector.load %arg4[%swap3A, %swap3A_10] : memref<64x16384xf32, #tpu.memory_space<vmem>>, vector<64x8192xf32>
    tpu.vector_store %arg4[%swap3A, %swap3A_10], %add3A_9 {strides = array<i32>} : memref<64x16384xf32, #tpu.memory_space<vmem>>, vector<64x8192xf32>,
    %slice3A_12 = vector.extract_strided_slice %dot_general3A_5 {offsets = [64, 0], sizes = [64, 8192], strides = [1, 1]} : vector<128x8192xf32> to vector<64x8192xf32>
    %get3A_13 = arith.constant 0 : index
    %get3A_14 = arith.constant 0 : index
    %get3A_15 = vector.load %arg3[%get3A_13, %get3A_14] : memref<64x1xf32, #tpu.memory_space<vmem>>, vector<64x1xf32>
    %add3A_16 = vector.broadcast %get3A_15 : vector<64x1xf32> to vector<64x8192xf32>
    %add3A_17 = arith.addf %slice3A_12, %add3A_16 : vector<64x8192xf32>
    %swap3A_18 = arith.constant 0 : index
    %swap3A_19 = arith.constant 8192 : index
    %swap3A_20 = vector.load %arg4[%swap3A_18, %swap3A_19] : memref<64x16384xf32, #tpu.memory_space<vmem>>, vector<64x8192xf32>
    tpu.vector_store %arg4[%swap3A_18, %swap3A_19], %add3A_17 {strides = array<i32>} : memref<64x16384xf32, #tpu.memory_space<vmem>>, vector<64x8192xf32>,
    return
  }
  func.func @transform_0(%arg0: i32) -> (i32, i32) {
    %c0_i32 = arith.constant 0 : i32
    %c0_i32_0 = arith.constant 0 : i32
    return %arg0, %c0_i32 : i32, i32
  }
  func.func @transform_1(%arg0: i32) -> (i32, i32) {
    %c0_i32 = arith.constant 0 : i32
    %c0_i32_0 = arith.constant 0 : i32
    %c0_i32_1 = arith.constant 0 : i32
    return %c0_i32, %c0_i32_0 : i32, i32
  }
  func.func @transform_2(%arg0: i32) -> (i32, i32) {
    %c0_i32 = arith.constant 0 : i32
    %c0_i32_0 = arith.constant 0 : i32
    %c0_i32_1 = arith.constant 0 : i32
    return %c0_i32, %c0_i32_0 : i32, i32
  }
  func.func @transform_3(%arg0: i32) -> (i32, i32) {
    %c0_i32 = arith.constant 0 : i32
    %c0_i32_0 = arith.constant 0 : i32
    return %c0_i32, %arg0 : i32, i32
  }
}

</mosaic_0001>

<sc_bundles>
// kernel: kernel.5.cloned.1.call-start
scs
__scs_entry_jumppad:
0x0: {  	(pc) =	sbr.rel $0x88, $3  }
0x1: {  	(tag) =	ssettag $0x0;
	lr =	simm.s32 $0x1  }
0x2: {  	[smem:$0x3F9D] =	sst lr;
	_ =	strace $0xD0000000  }
0x3: {  	_ = 	snop  }
0x4: {  	_ = 	snop  }
0x5: {  	_ = 	snop  }
0x6: {  	_ = 	snop  }
0x7: {  	_ = 	snop  }
__scs_overlays_trampoline_lowered:
0x8: {  	[smem:$0x3FAC] =	sst s0  }
0x9: {  	[smem:$0x3FAD] =	sst s1  }
0xa: {  	[smem:$0x3FAE] =	sst s2  }
0xb: {  	[smem:$0x3FAF] =	sst s3  }
0xc: {  	[smem:$0x3FB0] =	sst s4  }
0xd: {  	[smem:$0x3FB1] =	sst s5  }
0xe: {  	[smem:$0x3FB2] =	sst s6  }
0xf: {  	[smem:$0x3FB3] =	sst s7  }
0x10: {  	[smem:$0x3FB4] =	sst s8  }
0x11: {  	[smem:$0x3FB5] =	sst s9;
	s0 =	simm.s32 @!p0 $0x0  }
0x12: {  	s1 =	sld [smem:$0x3F9B];
	s0 =	simm.s32 @p0 $0x1  }
0x13: {  	[smem:$0x3FB6] =	sst s0;
	s0 =	simm.s32 @!p1 $0x0  }
0x14: {  	s2 =	sld [smem:$0x3F9A];
	s0 =	simm.s32 @p1 $0x1  }
0x15: {  	[smem:$0x3FB7] =	sst s0;
	s0 =	simm.s32 @!p2 $0x0  }
0x16: {  	s3 =	sld [smem:$0x3FDB];
	s0 =	simm.s32 @p2 $0x1  }
0x17: {  	s4 =	simm.s32 $0x1BF5;
	[smem:$0x3FB9] =	sst s0  }
0x18: {  	s0 =	sld [smem:$0x3F9C];
	_ =	swait.ge [sflag:s4], $0x0  }
0x19: {  	s7 =	sld [smem:$0x3F9D]  }
0x1a: {  	s8 =	sadd.s32 $0xFFFFE003, lr  }
0x1b: {  	s9 =	sadd.s32 $0xFFFFFEF7, lr;
	s5 =	simm.s32 $0xFFFFFFFF;
	p2 =	slt.u32 s8, $0xFFFFF086  }
0x1c: {  	p1 =	slt.u32 s9, $0xF7A;
	s5 =	simm.s32 @!p2 $0x0  }
0x1d: {  	s5 =	simm.s32 @p1 $0x1;
	p0 =	seq.s32 s7, s2  }
0x1e: {  	s7 =	smul.u32 @!p0 $0xF7A, s2;
	p2 =	seq.s32 @!p0 s5, $0x0  }
0x1f: {  	s9 =	smul.u32 $0xF7A, s1;
	s8 =	simm.s32 @!p0 $0x1BF5;
	p2 =	por !p2, p0  }
0x20: {  	[sflag:s8] =	ssyncset.s32 @!p0 $0xFFFFF086;
	s6 =	sadd.s32 @!p0 s3, s7;
	s7 =	simm.s32 @!p0 $0x108  }
0x21: {  	s3 =	sadd.s32 s3, s9;
	s6 =	sadd.s32 @!p0 $0x88, s6;
	s7 =	simm.s32 @p2 $0x1082  }
0x22: {  	[simem:s7], [sflag:s8] =	dma.local @!p0 [hbm:s6], $0xF7A  }
0x23: {  	s9 =	sor.u32 $0xD0000000, s2;
	s6 =	simm.s32 $0x108;
	_ =	swait.ge @!p0 [sflag:s8], $0x0  }
0x24: {  	s3 =	sadd.s32 $0x88, s3;
	s6 =	simm.s32 @!p1 $0x1082;
	[sflag:s4] =	ssyncset.s32 $0xFFFFF086  }
0x25: {  	[simem:s6], [sflag:s4] =	dma.local [hbm:s3], $0xF7A  }
0x26: {  	[smem:$0x3F9D] =	sst s1;
	(tag) =	ssettag s2;
	_ =	strace s9  }
0x27: {  	s1 =	sld [smem:$0x3FAD]  }
0x28: {  	s2 =	sld [smem:$0x3FAE]  }
0x29: {  	s4 =	sld [smem:$0x3FB0]  }
0x2a: {  	p0 =	seq.s32 s5, $0x0;
	s5 =	sld [smem:$0x3FB1]  }
0x2b: {  	s6 =	sld [smem:$0x3FB2]  }
0x2c: {  	s7 =	sld [smem:$0x3FB3]  }
0x2d: {  	s3 =	simm.s32 $0x108;
	s8 =	sld [smem:$0x3FB4]  }
0x2e: {  	s3 =	simm.s32 @!p0 $0x1082;
	s9 =	sld [smem:$0x3FB5]  }
0x2f: {  	lr =	sadd.s32 s0, s3;
	s0 =	sld [smem:$0x3FAC]  }
0x30: {  	s3 =	sld [smem:$0x3FAF]  }
0x31: {  	[smem:$0x3FB8] =	sst s10  }
0x32: {  	s10 =	sld [smem:$0x3FB6];
	_ =	sdelay $0x3  }
0x33: {  	p0 =	seq.s32 s10, $0x1;
	s10 =	sld [smem:$0x3FB8];
	_ =	sdelay $0x3  }
0x34: {  	[smem:$0x3FB8] =	sst s10  }
0x35: {  	s10 =	sld [smem:$0x3FB7];
	_ =	sdelay $0x3  }
0x36: {  	p1 =	seq.s32 s10, $0x1;
	s10 =	sld [smem:$0x3FB8];
	_ =	sdelay $0x3  }
0x37: {  	[smem:$0x3FB8] =	sst s10  }
0x38: {  	s10 =	sld [smem:$0x3FB9]  }
0x39: {  	_ = 	snop;
	(pc) =	sbr.ind lr, $3  }
0x3a: {  	_ = 	snop  }
0x3b: {  	_ = 	snop  }
0x3c: {  	p2 =	seq.s32 s10, $0x1;
	s10 =	sld [smem:$0x3FB8]  }
0x3d: {  	_ =	shalt  }
0x3e: {  	_ =	shalt  }
0x3f: {  	_ =	shalt  }
0x40: {  	_ =	shalt  }
0x41: {  	_ =	shalt  }
0x42: {  	_ =	shalt  }
0x43: {  	_ =	shalt  }
0x44: {  	_ =	shalt  }
0x45: {  	_ =	shalt  }
0x46: {  	_ =	shalt  }
0x47: {  	_ =	shalt  }
0x48: {  	_ =	shalt  }
0x49: {  	_ =	shalt  }
0x4a: {  	_ =	shalt  }
0x4b: {  	_ =	shalt  }
0x4c: {  	_ =	shalt  }
0x4d: {  	_ =	shalt  }
0x4e: {  	_ =	shalt  }
0x4f: {  	_ =	shalt  }
0x50: {  	_ =	shalt  }
0x51: {  	_ =	shalt  }
0x52: {  	_ =	shalt  }
0x53: {  	_ =	shalt  }
0x54: {  	_ =	shalt  }
0x55: {  	_ =	shalt  }
0x56: {  	_ =	shalt  }
0x57: {  	_ =	shalt  }
0x58: {  	_ =	shalt  }
0x59: {  	_ =	shalt  }
0x5a: {  	_ =	shalt  }
0x5b: {  	_ =	shalt  }
0x5c: {  	_ =	shalt  }
0x5d: {  	_ =	shalt  }
0x5e: {  	_ =	shalt  }
0x5f: {  	_ =	shalt  }
0x60: {  	_ =	shalt  }
0x61: {  	_ =	shalt  }
0x62: {  	_ =	shalt  }
0x63: {  	_ =	shalt  }
0x64: {  	_ =	shalt  }
0x65: {  	_ =	shalt  }
0x66: {  	_ =	shalt  }
0x67: {  	_ =	shalt  }
0x68: {  	_ =	shalt  }
0x69: {  	_ =	shalt  }
0x6a: {  	_ =	shalt  }
0x6b: {  	_ =	shalt  }
0x6c: {  	_ =	shalt  }
0x6d: {  	_ =	shalt  }
0x6e: {  	_ =	shalt  }
0x6f: {  	_ =	shalt  }
0x70: {  	_ =	shalt  }
0x71: {  	_ =	shalt  }
0x72: {  	_ =	shalt  }
0x73: {  	_ =	shalt  }
0x74: {  	_ =	shalt  }
0x75: {  	_ =	shalt  }
0x76: {  	_ =	shalt  }
0x77: {  	_ =	shalt  }
0x78: {  	_ =	shalt  }
0x79: {  	_ =	shalt  }
0x7a: {  	_ =	shalt  }
0x7b: {  	_ =	shalt  }
0x7c: {  	_ =	shalt  }
0x7d: {  	_ =	shalt  }
0x7e: {  	_ =	shalt  }
0x7f: {  	_ =	shalt  }
0x80: {  	_ =	shalt  }
0x81: {  	_ =	shalt  }
0x82: {  	_ =	shalt  }
0x83: {  	_ =	shalt  }
0x84: {  	_ =	shalt  }
0x85: {  	_ =	shalt  }
0x86: {  	_ =	shalt  }
0x87: {  	_ =	shalt  }
.Lfunc_end0:
.L_simem_size_0:
called_computation_lowered:
.L_overlay_start_0:
0x88: {  	s2 =	sld [smem:$0x3FD9]  }
0x89: {  	s3 =	sld [smem:$0x3FFE];
	_ =	sdelay $0x1  }
0x8a: {  	s1 =	srdreg.scid  }
0x8b: {  	s0 =	sand.u32 $0x1, s1  }
0x8c: {  	s17 =	sshll.u32 s0, $0xA;
	s2 =	sadd.s32 s3, s2  }
0x8d: {  	s2 =	sadd.s32 s2, s17  }
0x8e: {  	[smem:$0x3FC4] =	sst s2  }
0x8f: {  	_ = 	snop  }
0x90: {  	s2 =	sld [smem:$0x3FD0];
	(tm) =	ssettm $0x1  }
0x91: {  	s18 =	sld [smem:$0x3FFB];
	_ =	sdelay $0x3  }
0x92: {  	_ =	strace s18  }
0x93: {  	s3 =	sld [smem:$0x3FFC];
	_ =	sdelay $0x3  }
0x94: {  	_ =	strace s3  }
0x95: {  	s3 =	sld [smem:$0x3FFD];
	_ =	sdelay $0x3  }
0x96: {  	_ =	strace s3  }
0x97: {  	_ =	strace $0x8FFFFFFF  }
0x98: {  	s19 =	sld [smem:$0x3FDB];
	_ =	sdelay $0x1  }
0x99: {  	s4 =	simm.s32 $_scs_section_size  }
0x9a: {  	s5 =	simm.s32 $_size__tile_overlayer_lowered;
	s6 =	simm.s32 $_tile_overlayer_lowered  }
0x9b: {  	s22 =	simm.s32 $0x1BFF;
	s21 =	sshll.u32 s6, $0x1;
	s3 =	sadd.s32 s4, s19  }
0x9c: {  	s7 =	simm.s32 $0x0;
	s20 =	sshll.u32 s5, $0x1;
	s5 =	sadd.s32 s21, s3  }
0x9d: {  	[timem:s7], [sflag:s22] =	dma.local [hbm:s5], s20  }
0x9e: {  	_ =	swait.ge [sflag:s22], s20  }
0x9f: {  	s4 =	ssub.s32 $0x0, s20;
	[sflag:s22] =	ssyncset.done $0x0  }
0xa0: {  	[sflag:s22] =	ssyncadd.s32 s4;
	_ =	sdelay $0x1  }
0xa1: {  	s23 =	simm.s32 $0x1B8B  }
0xa2: {  	_ =	swait.ge [sflag:s23], $0x1  }
0xa3: {  	[sflag:s23] =	ssyncset.done $0x0  }
0xa4: {  	s25 =	simm.s32 $0x1B8E;
	s24 =	sld [smem:$0x3FFE];
	[sflag:s23] =	ssyncadd.s32 $0xFFFFFFFF  }
0xa5: {  	s26 =	simm.s32 $execute0_lowered;
	[smem:$0x3FD2] =	sst s25  }
0xa6: {  	s5 =	sshll.u32 s26, $0x1;
	_ =	strace $0x80000046;
	[dreg:$0x1] =	wrdreg $0xFFFFFFFF  }
0xa7: {  	s28 =	simm.s32 $_size_execute0_lowered;
	s3 =	sadd.s32 s3, s5;
	[dreg:$0x0] =	wrdreg $0x0  }
0xa8: {  	s5 =	sshll.u32 s28, $0x1;
	[dreg:$0x2] =	wrdreg s3  }
0xa9: {  	[dreg:$0x3] =	wrdreg s5  }
0xaa: {  	[dreg:$0x4] =	wrdreg $0xC0  }
0xab: {  	_ =	task [dreg:s7], $0x5FFFF  }
0xac: {  	[dreg:$0x1] =	wrdreg $0xFFFFFFFF  }
0xad: {  	[dreg:$0x0] =	wrdreg $0x60  }
0xae: {  	[dreg:$0x2] =	wrdreg s24  }
0xaf: {  	[dreg:$0x3] =	wrdreg s2  }
0xb0: {  	[dreg:$0x4] =	wrdreg $0x9  }
0xb1: {  	_ =	task.clear_ibuf [dreg:s7], $0x5FFFF;
	_ =	strace $0x90000046  }
0xb2: {  	s29 =	simm.s32 $0x9;
	_ =	strace $0x80000048  }
0xb3: {  	_ =	swait.ge [sflag:s29], $0x1  }
0xb4: {  	[sflag:s29] =	ssyncadd.s32 $0xFFFFFFFF  }
0xb5: {  	_ =	strace $0x90000048  }
0xb6: {  	_ =	sfence  }
0xb7: {  	s30 =	sld [smem:$0x0];
	_ =	sdelay $0x2  }
0xb8: {  	s31 =	sshll.u32 s1, $0xD;
	s1 =	sshrl.u32 s1, $0x2  }
0xb9: {  	s3 =	sand.u32 $0x4000, s31;
	s1 =	sadd.s32 s1, s30  }
0xba: {  	s0 =	sor.u32 s3, s0;
	s1 =	sshll.u32 s1, $0x11  }
0xbb: {  	s0 =	sor.u32 s1, s0  }
0xbc: {  	s0 =	sadd.s32 $0x8F2B, s0  }
0xbd: {  	[sflag:s0] =	ssyncadd.remote.s32 $0x1  }
0xbe: {  	_ =	sfence.sel $0xFFFF  }
0xbf: {  	[dreg:$0x0] =	wrdreg $0xFFFFFFFF;
	(pc) =	sbr.abs _section_cstart, $3  }
0xc0: {  	[dreg:$0x1] =	wrdreg $0xFFFFFFFF  }
0xc1: {  	_ =	task.clear_ibuf [dreg:s7], $0x2FFFF;
	_ =	strace $0x9FFFFFFF  }
0xc2: {  	(tm) =	ssettm $0x7FFFFFFF  }
0xc3: {  	_ =	shalt  }
tec
execute0_lowered:
.L_overlay_start_1:
0x0: {  	(tag) =	ssettag $0x1  }
0x1: {  	s1 =	srdreg.scid;
	s4 =	rddreg [dreg:$0x0]  }
0x2: {  	s0 =	stileid.u32;
	s5 =	rddreg [dreg:$0x1]  }
0x3: {  	s2 =	simm.s32 $0x0;
	s29 =	simm.s32 $0x8400;
	s30 =	simm.s32 $0xA400  }
0x4: {  	s31 =	simm.s32 $0xC400;
	s15 =	simm.s32 $0x12400;
	s16 =	simm.s32 $0x14400  }
0x5: {  	s17 =	simm.s32 $0x1;
	s18 =	simm.s32 $0x40;
	s8 =	smul.u32 $0x640000, s0  }
0x6: {  	s19 =	simm.s32 $0x0;
	s6 =	sand.u32 $0x1, s1;
	s10 =	smul.u32 $0x320000, s0  }
0x7: {  	s25 =	sshll.u32 s0, $0x1;
	[smem:$0x7FF] =	sst s2;
	s12 =	smul.u32 $0xC800, s0  }
0x8: {  	s3 =	sadd.s32 $0x800, s4;
	s1 =	sor.u32 s6, s25;
	s9 =	smul.u32 $0x320000, s6  }
0x9: {  	s4 =	sadd.s32 $0x7C0800, s4;
	s7 =	smul.u32 $0x6400, s1;
	s1 =	rddreg [dreg:$0x2]  }
0xa: {  	s11 =	ssub.s32 $0x2, s6;
	_ =	strace $0x80000047;
	[dreg:$0x3] =	wrdreg s29  }
0xb: {  	s14 =	smul.u32 $0x6400, s6;
	s13 =	sshrl.u32 s11, $0x1;
	[dreg:$0x4] =	wrdreg s30  }
0xc: {  	s26 =	smul.u32 $0x190000, s6;
	[dreg:$0x5] =	wrdreg s31;
	s11 =	ssub.s32 s11, s13  }
0xd: {  	s28 =	sadd.s32 s14, s12;
	s12 =	simm.s32 $0x6400;
	s13 =	simm.s32 $0xE400  }
0xe: {  	s14 =	simm.s32 $0x10400;
	s7 =	sshrl.u32 s7, $0x3;
	s6 =	smax.u32 s11, $0x1  }
0xf: {  	s11 =	simm.s32 $0x80;
	s5 =	sadd.s32 s5, s7;
	s7 =	sadd.s32 s9, s8  }
0x10: {  	s8 =	sadd.s32 s26, s10;
	s9 =	sshrl.u32 s28, $0x7;
	s10 =	simm.s32 $0x2  }
.LBB2_1:
0x11: {  	[tilespmem:s2], [sflag:$0x2] =	stream.linear.gather [hbm4b:s5+s2], $0x6400, $0x38;
	[tilespmem:$0x16400] =	vst v63  }
0x12: {  	_ =	swait.ge [sflag:s10], $0x6400  }
0x13: {  	[sflag:s10] =	ssyncset.done $0x0  }
0x14: {  	s20 =	simm.s32 $0x0;
	[sflag:s10] =	ssyncadd.s32 $0xFFFF9C00  }
0x15: {  	[tilespmem:s12], [sflag:$0x1] =	stream.indirect.gather [hbm4b:s3+s11], $0x40, s20, s11, $0xb8;
	[tilespmem:$0x16400] =	vst v63  }
0x16: {  	s22 =	simm.s32 $0x80;
	s21 =	rddreg [dreg:$0x3]  }
0x17: {  	[tilespmem:s21], [sflag:$0x1] =	stream.indirect.gather [hbm4b:s3+s11], $0x40, s22, s11, $0xb8;
	[tilespmem:$0x16400] =	vst v63  }
0x18: {  	s30 =	simm.s32 $0x100;
	s29 =	rddreg [dreg:$0x4]  }
0x19: {  	[tilespmem:s29], [sflag:$0x1] =	stream.indirect.gather [hbm4b:s3+s11], $0x40, s30, s11, $0xb8;
	[tilespmem:$0x16400] =	vst v63  }
0x1a: {  	s23 =	simm.s32 $0x180;
	s31 =	rddreg [dreg:$0x5]  }
0x1b: {  	[tilespmem:s31], [sflag:$0x1] =	stream.indirect.gather [hbm4b:s3+s11], $0x40, s23, s11, $0xb8;
	[tilespmem:$0x16400] =	vst v63  }
0x1c: {  	s24 =	simm.s32 $0x200  }
0x1d: {  	[tilespmem:s13], [sflag:$0x1] =	stream.indirect.gather [hbm4b:s3+s11], $0x40, s24, s11, $0xb8;
	[tilespmem:$0x16400] =	vst v63  }
0x1e: {  	s25 =	simm.s32 $0x280  }
0x1f: {  	[tilespmem:s14], [sflag:$0x1] =	stream.indirect.gather [hbm4b:s3+s11], $0x40, s25, s11, $0xb8;
	[tilespmem:$0x16400] =	vst v63  }
0x20: {  	s26 =	simm.s32 $0x300  }
0x21: {  	[tilespmem:s15], [sflag:$0x1] =	stream.indirect.gather [hbm4b:s3+s11], $0x40, s26, s11, $0xb8;
	[tilespmem:$0x16400] =	vst v63  }
0x22: {  	s28 =	simm.s32 $0x380  }
0x23: {  	[tilespmem:s16], [sflag:$0x1] =	stream.indirect.gather [hbm4b:s3+s11], $0x40, s28, s11, $0xb8;
	[tilespmem:$0x16400] =	vst v63  }
0x24: {  	_ =	swait.ge [sflag:s17], $0x2000  }
0x25: {  	[sflag:s17] =	ssyncset.done $0x0  }
0x26: {  	[sflag:s17] =	ssyncadd.s32 $0xFFFFE000  }
0x27: {  	_ =	swait.ge [sflag:s17], $0x2000  }
0x28: {  	[sflag:s17] =	ssyncset.done $0x0  }
0x29: {  	[sflag:s17] =	ssyncadd.s32 $0xFFFFE000  }
0x2a: {  	_ =	swait.ge [sflag:s17], $0x2000  }
0x2b: {  	[sflag:s17] =	ssyncset.done $0x0  }
0x2c: {  	[sflag:s17] =	ssyncadd.s32 $0xFFFFE000  }
0x2d: {  	_ =	swait.ge [sflag:s17], $0x2000  }
0x2e: {  	[sflag:s17] =	ssyncset.done $0x0  }
0x2f: {  	[sflag:s17] =	ssyncadd.s32 $0xFFFFE000  }
0x30: {  	_ =	swait.ge [sflag:s17], $0x2000  }
0x31: {  	[sflag:s17] =	ssyncset.done $0x0  }
0x32: {  	[sflag:s17] =	ssyncadd.s32 $0xFFFFE000  }
0x33: {  	_ =	swait.ge [sflag:s17], $0x2000  }
0x34: {  	[sflag:s17] =	ssyncset.done $0x0  }
0x35: {  	[sflag:s17] =	ssyncadd.s32 $0xFFFFE000  }
0x36: {  	_ =	swait.ge [sflag:s17], $0x2000  }
0x37: {  	s29 =	sand.u32 $0x7FF00000, s8;
	s30 =	sand.u32 $0xE0000, s7;
	[sflag:s17] =	ssyncset.done $0x0  }
0x38: {  	s20 =	sor.u32 s30, s29;
	s31 =	sand.u32 $0x40, s9;
	[sflag:s17] =	ssyncadd.s32 $0xFFFFE000  }
0x39: {  	s20 =	sor.u32 s31, s20;
	_ =	swait.ge [sflag:s17], $0x2000  }
0x3a: {  	s21 =	sadd.s32 $0x10000, s8;
	s20 =	sshrl.u32 s20, $0x3;
	[sflag:s17] =	ssyncset.done $0x0  }
0x3b: {  	s22 =	sadd.s32 $0x20000, s7;
	s20 =	sadd.s32 s4, s20;
	[sflag:s17] =	ssyncadd.s32 $0xFFFFE000  }
0x3c: {  	[hbm4b:s20+s18] =	stream.strided.scatter [tilespmem:s12], [sflag:$0x2], $0x10000, s11, s18, $0x38;
	[tilespmem:$0x16400] =	vst v63  }
0x3d: {  	s23 =	simm.s32 $0x1000;
	s24 =	simm.s32 $0x2000;
	_ =	swait.ge [sflag:s10], $0x10000  }
0x3e: {  	s20 =	sadd.s32 $0x8, s9;
	s25 =	rddreg [dreg:$0x4];
	[sflag:s10] =	ssyncset.done $0x0  }
.LBB2_2:
0x3f: {  	s26 =	sshra.s32 s23, $0x2;
	[sflag:s10] =	ssyncadd.s32 $0xFFFF0000  }
0x40: {  	[tilespmem:s12], [sflag:$0x1] =	stream.indirect.gather [hbm4b:s3+s11], $0x40, s26, s11, $0xb8;
	[tilespmem:$0x16400] =	vst v63  }
0x41: {  	s28 =	rddreg [dreg:$0x3];
	s29 =	sadd.s32 $0x80, s26  }
0x42: {  	[tilespmem:s28], [sflag:$0x1] =	stream.indirect.gather [hbm4b:s3+s11], $0x40, s29, s11, $0xb8;
	[tilespmem:$0x16400] =	vst v63  }
0x43: {  	s30 =	sadd.s32 $0x100, s26  }
0x44: {  	[tilespmem:s25], [sflag:$0x1] =	stream.indirect.gather [hbm4b:s3+s11], $0x40, s30, s11, $0xb8;
	[tilespmem:$0x16400] =	vst v63  }
0x45: {  	s31 =	rddreg [dreg:$0x5];
	s28 =	sadd.s32 $0x180, s26  }
0x46: {  	[tilespmem:s31], [sflag:$0x1] =	stream.indirect.gather [hbm4b:s3+s11], $0x40, s28, s11, $0xb8;
	[tilespmem:$0x16400] =	vst v63  }
0x47: {  	s29 =	sadd.s32 $0x200, s26  }
0x48: {  	[tilespmem:s13], [sflag:$0x1] =	stream.indirect.gather [hbm4b:s3+s11], $0x40, s29, s11, $0xb8;
	[tilespmem:$0x16400] =	vst v63  }
0x49: {  	s30 =	sadd.s32 $0x280, s26  }
0x4a: {  	[tilespmem:s14], [sflag:$0x1] =	stream.indirect.gather [hbm4b:s3+s11], $0x40, s30, s11, $0xb8;
	[tilespmem:$0x16400] =	vst v63  }
0x4b: {  	s31 =	sadd.s32 $0x300, s26  }
0x4c: {  	[tilespmem:s15], [sflag:$0x1] =	stream.indirect.gather [hbm4b:s3+s11], $0x40, s31, s11, $0xb8;
	[tilespmem:$0x16400] =	vst v63  }
0x4d: {  	s28 =	sadd.s32 $0x380, s26  }
0x4e: {  	[tilespmem:s16], [sflag:$0x1] =	stream.indirect.gather [hbm4b:s3+s11], $0x40, s28, s11, $0xb8;
	[tilespmem:$0x16400] =	vst v63  }
0x4f: {  	_ =	swait.ge [sflag:s17], $0x2000  }
0x50: {  	[sflag:s17] =	ssyncset.done $0x0  }
0x51: {  	[sflag:s17] =	ssyncadd.s32 $0xFFFFE000  }
0x52: {  	_ =	swait.ge [sflag:s17], $0x2000  }
0x53: {  	[sflag:s17] =	ssyncset.done $0x0  }
0x54: {  	[sflag:s17] =	ssyncadd.s32 $0xFFFFE000  }
0x55: {  	_ =	swait.ge [sflag:s17], $0x2000  }
0x56: {  	[sflag:s17] =	ssyncset.done $0x0  }
0x57: {  	[sflag:s17] =	ssyncadd.s32 $0xFFFFE000  }
0x58: {  	_ =	swait.ge [sflag:s17], $0x2000  }
0x59: {  	[sflag:s17] =	ssyncset.done $0x0  }
0x5a: {  	[sflag:s17] =	ssyncadd.s32 $0xFFFFE000  }
0x5b: {  	_ =	swait.ge [sflag:s17], $0x2000  }
0x5c: {  	[sflag:s17] =	ssyncset.done $0x0  }
0x5d: {  	[sflag:s17] =	ssyncadd.s32 $0xFFFFE000  }
0x5e: {  	_ =	swait.ge [sflag:s17], $0x2000  }
0x5f: {  	[sflag:s17] =	ssyncset.done $0x0  }
0x60: {  	[sflag:s17] =	ssyncadd.s32 $0xFFFFE000  }
0x61: {  	s23 =	smov.u32 s24;
	_ =	swait.ge [sflag:s17], $0x2000  }
0x62: {  	s29 =	sand.u32 $0x7FF00000, s21;
	s30 =	sand.u32 $0xE0000, s22;
	[sflag:s17] =	ssyncset.done $0x0  }
0x63: {  	s25 =	sor.u32 s30, s29;
	s31 =	sand.u32 $0x40, s20;
	[sflag:s17] =	ssyncadd.s32 $0xFFFFE000  }
0x64: {  	p0 =	sne.s32 s24, $0x18000;
	s25 =	sor.u32 s31, s25;
	_ =	swait.ge [sflag:s17], $0x2000  }
.Ltmp0:
0x65: {  	s25 =	sshrl.u32 s25, $0x3;
	[sflag:s17] =	ssyncset.done $0x0;
	(pc) =	sbr.rel @p0 .LBB2_2-.Ltmp0, $4  }
0x66: {  	s24 =	sadd.s32 $0x1000, s24;
	s25 =	sadd.s32 s4, s25;
	[sflag:s17] =	ssyncadd.s32 $0xFFFFE000  }
0x67: {  	[hbm4b:s25+s18] =	stream.strided.scatter [tilespmem:s12], [sflag:$0x2], $0x10000, s11, s18, $0x38;
	[tilespmem:$0x16400] =	vst v63  }
0x68: {  	s21 =	sadd.s32 $0x10000, s21;
	s22 =	sadd.s32 $0x20000, s22;
	_ =	swait.ge [sflag:s10], $0x10000  }
0x69: {  	s20 =	sadd.s32 $0x8, s20;
	s25 =	rddreg [dreg:$0x4];
	[sflag:s10] =	ssyncset.done $0x0  }
0x6a: {  	s23 =	sshra.s32 s23, $0x2;
	[sflag:s10] =	ssyncadd.s32 $0xFFFF0000  }
0x6b: {  	[tilespmem:s12], [sflag:$0x1] =	stream.indirect.gather [hbm4b:s3+s11], $0x40, s23, s11, $0xb8;
	[tilespmem:$0x16400] =	vst v63  }
0x6c: {  	s24 =	rddreg [dreg:$0x3];
	s26 =	sadd.s32 $0x80, s23  }
0x6d: {  	[tilespmem:s24], [sflag:$0x1] =	stream.indirect.gather [hbm4b:s3+s11], $0x40, s26, s11, $0xb8;
	[tilespmem:$0x16400] =	vst v63  }
0x6e: {  	s30 =	sadd.s32 $0x100, s23  }
0x6f: {  	[tilespmem:s25], [sflag:$0x1] =	stream.indirect.gather [hbm4b:s3+s11], $0x40, s30, s11, $0xb8;
	[tilespmem:$0x16400] =	vst v63  }
0x70: {  	s31 =	rddreg [dreg:$0x5];
	s28 =	sadd.s32 $0x180, s23  }
0x71: {  	[tilespmem:s31], [sflag:$0x1] =	stream.indirect.gather [hbm4b:s3+s11], $0x40, s28, s11, $0xb8;
	[tilespmem:$0x16400] =	vst v63  }
0x72: {  	s29 =	sadd.s32 $0x200, s23  }
0x73: {  	[tilespmem:s13], [sflag:$0x1] =	stream.indirect.gather [hbm4b:s3+s11], $0x40, s29, s11, $0xb8;
	[tilespmem:$0x16400] =	vst v63  }
0x74: {  	s30 =	sadd.s32 $0x280, s23  }
0x75: {  	[tilespmem:s14], [sflag:$0x1] =	stream.indirect.gather [hbm4b:s3+s11], $0x40, s30, s11, $0xb8;
	[tilespmem:$0x16400] =	vst v63  }
0x76: {  	s31 =	sadd.s32 $0x300, s23  }
0x77: {  	[tilespmem:s15], [sflag:$0x1] =	stream.indirect.gather [hbm4b:s3+s11], $0x40, s31, s11, $0xb8;
	[tilespmem:$0x16400] =	vst v63  }
0x78: {  	s23 =	sadd.s32 $0x380, s23  }
0x79: {  	[tilespmem:s16], [sflag:$0x1] =	stream.indirect.gather [hbm4b:s3+s11], $0x40, s23, s11, $0xb8;
	[tilespmem:$0x16400] =	vst v63  }
0x7a: {  	_ =	swait.ge [sflag:s17], $0x2000  }
0x7b: {  	[sflag:s17] =	ssyncset.done $0x0  }
0x7c: {  	[sflag:s17] =	ssyncadd.s32 $0xFFFFE000  }
0x7d: {  	_ =	swait.ge [sflag:s17], $0x2000  }
0x7e: {  	[sflag:s17] =	ssyncset.done $0x0  }
0x7f: {  	[sflag:s17] =	ssyncadd.s32 $0xFFFFE000  }
0x80: {  	_ =	swait.ge [sflag:s17], $0x2000  }
0x81: {  	[sflag:s17] =	ssyncset.done $0x0  }
0x82: {  	[sflag:s17] =	ssyncadd.s32 $0xFFFFE000  }
0x83: {  	_ =	swait.ge [sflag:s17], $0x2000  }
0x84: {  	[sflag:s17] =	ssyncset.done $0x0  }
0x85: {  	[sflag:s17] =	ssyncadd.s32 $0xFFFFE000  }
0x86: {  	_ =	swait.ge [sflag:s17], $0x2000  }
0x87: {  	[sflag:s17] =	ssyncset.done $0x0  }
0x88: {  	[sflag:s17] =	ssyncadd.s32 $0xFFFFE000  }
0x89: {  	_ =	swait.ge [sflag:s17], $0x2000  }
0x8a: {  	[sflag:s17] =	ssyncset.done $0x0  }
0x8b: {  	[sflag:s17] =	ssyncadd.s32 $0xFFFFE000  }
0x8c: {  	_ =	swait.ge [sflag:s17], $0x2000  }
0x8d: {  	s21 =	sand.u32 $0x7FF00000, s21;
	s22 =	sand.u32 $0xE0000, s22;
	[sflag:s17] =	ssyncset.done $0x0  }
0x8e: {  	s20 =	sand.u32 $0x40, s20;
	s21 =	sor.u32 s22, s21;
	[sflag:s17] =	ssyncadd.s32 $0xFFFFE000  }
0x8f: {  	s19 =	sadd.s32 $0x1, s19;
	s20 =	sor.u32 s20, s21;
	_ =	swait.ge [sflag:s17], $0x2000  }
0x90: {  	p0 =	sne.s32 s19, s6;
	s20 =	sshrl.u32 s20, $0x3;
	[sflag:s17] =	ssyncset.done $0x0  }
.Ltmp1:
0x91: {  	s20 =	sadd.s32 s4, s20;
	[sflag:s17] =	ssyncadd.s32 $0xFFFFE000;
	(pc) =	sbr.rel @p0 .LBB2_1-.Ltmp1, $4  }
0x92: {  	[hbm4b:s20+s18] =	stream.strided.scatter [tilespmem:s12], [sflag:$0x2], $0x10000, s11, s18, $0x38;
	[tilespmem:$0x16400] =	vst v63  }
0x93: {  	_ =	swait.ge [sflag:s10], $0x10000  }
0x94: {  	[sflag:s10] =	ssyncset.done $0x0  }
0x95: {  	[sflag:s10] =	ssyncadd.s32 $0xFFFF0000  }
0x96: {  	_ =	sfence.sel $0x180000  }
0x97: {  	[bflag:$0x0] =	sbarrier.arrive $0xFFFF  }
0x98: {  	p0 =	sne.s32 s0, $0x0;
	_ =	strace $0x90000047  }
0x99: {  	s0 =	sadd.s32 @!p0 $0x100000, s1;
	[bflag:$0x2] =	sbarrier.arrive $0xFFFF  }
0x9a: {  	[sflag:s0] =	ssyncadd.tile.s32 @!p0 $0x1;
	_ =	shalt  }
.Lfunc_end2:
_tile_overlayer_lowered:
.L_overlay_start_2:
0x9b: {  	(tag) =	ssettag $0x2  }
0x9c: {  	s0 =	rddreg [dreg:$0x0];
	s2 =	stileid.u32  }
0x9d: {  	s1 =	rddreg [dreg:$0x1];
	p0 =	sne.s32 s2, $0x0  }
0x9e: {  	s3 =	rddreg [dreg:$0x2];
	[bflag:$0x3] =	sbarrier.arrive $0xFFFF;
	s2 =	simm.s32 @!p0 $0x1C02  }
0x9f: {  	[timem:s3], [sflag:s2] =	dma.local @!p0 [hbm:s0], s1  }
0xa0: {  	s0 =	simm.s32 @!p0 $0x2  }
0xa1: {  	_ =	swait.ge @!p0 [sflag:s0], s1  }
0xa2: {  	s1 =	ssub.s32 @!p0 $0x0, s1;
	[sflag:s0] =	ssyncset.done @!p0 $0x0  }
0xa3: {  	[sflag:s0] =	ssyncadd.s32 @!p0 s1  }
0xa4: {  	[bflag:$0x3] =	sbarrier.arrive $0xFFFF  }
0xa5: {  	_ =	shalt  }

</sc_bundles>
